<compile_context>
chip_gen: v7x
topology: tpu7x:2x2x1
jax: 0.10.2.dev20260603
libtpu: 0.0.44.dev20260713+nightly
codegen_flags: <defaults>
</compile_context>

<pallas_src>
import functools

import jax
import jax.numpy as jnp
from jax import lax
from jax.experimental import pallas as pl
from jax.experimental.pallas import tpu as pltpu
from jax.experimental.pallas import tpu_sc as plsc

CELLS = 16384
OUT_DIM = 32
FEATS = 64

NUM_SC = 2
NUM_TILES = 16
NUM_WORKERS = NUM_SC * NUM_TILES
CPT = CELLS // NUM_WORKERS
CHUNK = 128
NCHUNK = CPT // CHUNK
ROWS_PER_TILE = CELLS // NUM_TILES

BLOCK = 1024
GRID = CELLS // BLOCK


def _sc_body(idx_hbm, mask_hbm, zero_hbm, out_hbm,
             idx0, idx1, idx2, idx3, mask_v, acc, sem):
    c = lax.axis_index("c")
    s = lax.axis_index("s")
    wid = s * NUM_SC + c

    zrow0 = s * ROWS_PER_TILE
    pltpu.sync_copy(zero_hbm.at[pl.ds(zrow0, ROWS_PER_TILE)],
                    acc.at[pl.ds(zrow0, ROWS_PER_TILE)])
    plsc.subcore_barrier()

    base = wid * CPT
    idx_refs = (idx0, idx1, idx2, idx3)
    fetches = []
    for j in range(NCHUNK):
        fetches.append(
            pltpu.async_copy(idx_hbm.at[pl.ds(base + j * CHUNK, CHUNK)],
                             idx_refs[j], sem))
        fetches.append(
            pltpu.async_copy(mask_hbm.at[pl.ds(base + j * CHUNK, CHUNK)],
                             mask_v.at[j], sem))
    for f in fetches:
        f.wait()

    for j in range(NCHUNK):
        pltpu.sync_copy(mask_v.at[j], acc.at[idx_refs[j]], add=True)

    plsc.subcore_barrier()
    pltpu.sync_copy(acc.at[pl.ds(zrow0, ROWS_PER_TILE)],
                    out_hbm.at[pl.ds(c * CELLS + zrow0, ROWS_PER_TILE)])


@functools.cache
def _sc_scatter():
    mesh = plsc.VectorSubcoreMesh(core_axis_name="c", subcore_axis_name="s")
    return pl.kernel(
        _sc_body,
        out_type=jax.ShapeDtypeStruct((NUM_SC * CELLS, OUT_DIM), jnp.float32),
        mesh=mesh,
        scratch_types=[
            pltpu.VMEM((CHUNK,), jnp.int32),
            pltpu.VMEM((CHUNK,), jnp.int32),
            pltpu.VMEM((CHUNK,), jnp.int32),
            pltpu.VMEM((CHUNK,), jnp.int32),
            pltpu.VMEM((NCHUNK, CHUNK, OUT_DIM), jnp.float32),
            pltpu.VMEM_SHARED((CELLS, OUT_DIM), jnp.float32),
            pltpu.SemaphoreType.DMA,
        ],
        compiler_params=pltpu.CompilerParams(use_tc_tiling_on_sc=False),
    )


def _tc_body(x_ref, w_ref, s_ref, out_ref):
    y = jnp.dot(x_ref[...], w_ref[...], preferred_element_type=jnp.float32)
    out_ref[...] = y + s_ref[0] + s_ref[1]


@jax.jit
def kernel(x, index, mask, w1, w2):
    w = jnp.concatenate([w1, w2], axis=-1)
    w_blk = jnp.kron(jnp.eye(OUT_DIM, dtype=jnp.float32), w.reshape(FEATS, 1))
    x2 = x.reshape(CELLS, OUT_DIM * FEATS)
    zero = jnp.zeros((CELLS, OUT_DIM), jnp.float32)
    s = _sc_scatter()(index.astype(jnp.int32), mask, zero)
    s = s.reshape(NUM_SC, CELLS, OUT_DIM)
    return pl.pallas_call(
        _tc_body,
        grid=(GRID,),
        in_specs=[
            pl.BlockSpec((BLOCK, OUT_DIM * FEATS), lambda i: (i, 0)),
            pl.BlockSpec((OUT_DIM * FEATS, OUT_DIM), lambda i: (0, 0)),
            pl.BlockSpec((NUM_SC, BLOCK, OUT_DIM), lambda i: (0, i, 0)),
        ],
        out_specs=pl.BlockSpec((BLOCK, OUT_DIM), lambda i: (i, 0)),
        out_shape=jax.ShapeDtypeStruct((CELLS, OUT_DIM), jnp.float32),
        compiler_params=pltpu.CompilerParams(
            dimension_semantics=("arbitrary",),
        ),
    )(x2, w_blk, s)

# --- scband reference (transcript-rebuilt; emitter-appended) ---
"""Pipeline reference for scband-tied-linear-45389214384860 (READ-ONLY COPY).

The authoritative reference and input builder live on the scoring server;
editing this copy changes nothing except your own understanding.
"""

import jax, jax.numpy as jnp
import numpy as np

CELLS = 16384
OUTPUT_DIM = 32
FEAT_SIZES = (32, 32)

def setup_inputs(seed: int = 0) -> dict:
    key = jax.random.key(seed)
    k1, k2, k3, k4, k5 = jax.random.split(key, 5)
    x = jax.random.normal(k1, (CELLS, OUTPUT_DIM, sum(FEAT_SIZES)), dtype=jnp.float32)
    index = jax.random.randint(k2, (CELLS,), 0, CELLS)
    mask = jax.random.normal(k3, (CELLS, OUTPUT_DIM), dtype=jnp.float32)
    # learnable per-featurizer shared weights; reset_parameters uses stdv = 1/sqrt(size(0)) = 1.0
    w1 = jax.random.uniform(k4, (1, FEAT_SIZES[0]), minval=-1.0, maxval=1.0, dtype=jnp.float32)
    w2 = jax.random.uniform(k5, (1, FEAT_SIZES[1]), minval=-1.0, maxval=1.0, dtype=jnp.float32)
    return {"x": x, "index": index, "mask": mask, "w1": w1, "w2": w2}

def reference(x, index, mask, w1, w2):
    # concat_weights: cat feature weights, (weight_norm=False so no normalization), expand to output_dim rows
    w = jnp.concatenate([w1, w2], axis=-1)            # [1, in_features]
    w = jnp.broadcast_to(w, (OUTPUT_DIM, w.shape[-1]))  # [output_dim, in_features]
    # forward: x.mul(w) broadcasts over cells; sum over feature dim
    output = (x * w).sum(axis=2)                       # [cells, output_dim]
    # output.index_add_(0, index, mask)
    output = output.at[index].add(mask)
    return output

if __name__ == "__main__":
    import jax
    _d = setup_inputs()
    print(jax.jit(kernel)(*tuple(_d.values())))

</pallas_src>

<mosaic_0001>
#map = affine_map<(d0, d1) -> (0)>
#map1 = affine_map<(d0, d1) -> (0, 0)>
module attributes {stable_mosaic.version = 14 : i64} {
  func.func @_sc_body(%arg0: i32, %arg1: i32, %arg2: memref<16384xi32, #tpu.memory_space<hbm>>, %arg3: memref<16384x32xf32, #tpu.memory_space<hbm>>, %arg4: memref<16384x32xf32, #tpu.memory_space<hbm>>, %arg5: memref<32768x32xf32, #tpu.memory_space<hbm>>, %arg6: memref<128xi32, #tpu.memory_space<vmem>>, %arg7: memref<128xi32, #tpu.memory_space<vmem>>, %arg8: memref<128xi32, #tpu.memory_space<vmem>>, %arg9: memref<128xi32, #tpu.memory_space<vmem>>, %arg10: memref<4x128x32xf32, #tpu.memory_space<vmem>>, %arg11: memref<16384x32xf32, #tpu.memory_space<vmem_shared>>, %arg12: memref<!tpu.dma_semaphore, #tpu.memory_space<semaphore_mem>>) attributes {dimension_semantics = [#tpu.dimension_semantics<core_parallel>, #tpu.dimension_semantics<subcore_parallel>], iteration_bounds = array<i64: 2, 16>, scalar_prefetch = 0 : i64, scratch_operands = 7 : i64, tpu.core_type = #tpu.core_type<sc_vector_subcore>, window_params = [{transform_indices = #map}, {transform_indices = #map1}, {transform_indices = #map1}, {transform_indices = #map1}]} {
    %mul3A = arith.constant 2 : i32
    %mul3A_0 = arith.muli %arg1, %mul3A : i32
    %add3A = arith.addi %mul3A_0, %arg0 : i32
    %mul3A_1 = arith.constant 1024 : i32
    %mul3A_2 = arith.muli %arg1, %mul3A_1 : i32
    "tpu.region"() ({
      %run_scoped3A_146 = tpu.sem_alloc : memref<!tpu.dma_semaphore, #tpu.memory_space<semaphore_mem>>
      %dma_start3A_147 = arith.constant 0 : i32
      %dma_start3A_148 = tpu.memref_slice %arg11[%mul3A_2, %dma_start3A_147] : memref<16384x32xf32, #tpu.memory_space<vmem_shared>> -> memref<1024x32xf32, #tpu.memory_space<vmem_shared>>
      %dma_start3A_149 = arith.constant 0 : i32
      %dma_start3A_150 = tpu.memref_slice %arg4[%mul3A_2, %dma_start3A_149] : memref<16384x32xf32, #tpu.memory_space<hbm>> -> memref<1024x32xf32, #tpu.memory_space<hbm>>
      tpu.enqueue_dma source(%dma_start3A_150 : memref<1024x32xf32, #tpu.memory_space<hbm>>) target(%dma_start3A_148 : memref<1024x32xf32, #tpu.memory_space<vmem_shared>>) target_semaphore(%run_scoped3A_146 : memref<!tpu.dma_semaphore, #tpu.memory_space<semaphore_mem>>)
      %dma_wait3A_151 = arith.constant 0 : i32
      %dma_wait3A_152 = tpu.memref_slice %arg11[%mul3A_2, %dma_wait3A_151] : memref<16384x32xf32, #tpu.memory_space<vmem_shared>> -> memref<1024x32xf32, #tpu.memory_space<vmem_shared>>
      %dma_wait3A_153 = arith.constant 0 : i32
      %dma_wait3A_154 = tpu.memref_slice %arg4[%mul3A_2, %dma_wait3A_153] : memref<16384x32xf32, #tpu.memory_space<hbm>> -> memref<1024x32xf32, #tpu.memory_space<hbm>>
      tpu.wait_dma2 semaphore(%run_scoped3A_146 : memref<!tpu.dma_semaphore, #tpu.memory_space<semaphore_mem>>) src(%dma_wait3A_154 : memref<1024x32xf32, #tpu.memory_space<hbm>>) dst(%dma_wait3A_152 : memref<1024x32xf32, #tpu.memory_space<vmem_shared>>)
      tpu.yield
    }) : () -> ()
    %barrier3A = arith.constant 0 : index
    tpu.barrier barrier_id(%barrier3A)
    %mul3A_3 = arith.constant 512 : i32
    %mul3A_4 = arith.muli %add3A, %mul3A_3 : i32
    %add3A_5 = arith.constant 0 : i32
    %add3A_6 = arith.addi %mul3A_4, %add3A_5 : i32
    %dma_start3A = tpu.memref_slice %arg2[%add3A_6] : memref<16384xi32, #tpu.memory_space<hbm>> -> memref<128xi32, #tpu.memory_space<hbm>>
    %dma_start3A_7 = tpu.memref_slice %arg2[%add3A_6] : memref<16384xi32, #tpu.memory_space<hbm>> -> memref<128xi32, #tpu.memory_space<hbm>>
    tpu.enqueue_dma source(%dma_start3A_7 : memref<128xi32, #tpu.memory_space<hbm>>) target(%arg6 : memref<128xi32, #tpu.memory_space<vmem>>) target_semaphore(%arg12 : memref<!tpu.dma_semaphore, #tpu.memory_space<semaphore_mem>>)
    %add3A_8 = arith.constant 0 : i32
    %add3A_9 = arith.addi %mul3A_4, %add3A_8 : i32
    %dma_start3A_10 = arith.constant 0 : i32
    %dma_start3A_11 = arith.constant 0 : i32
    %dma_start3A_12 = arith.constant 0 : i32
    %dma_start3A_13 = tpu.memref_slice %arg10[%dma_start3A_10, %dma_start3A_11, %dma_start3A_12] : memref<4x128x32xf32, #tpu.memory_space<vmem>> -> memref<1x128x32xf32, #tpu.memory_space<vmem>>
    %dma_start3A_14 = tpu.memref_squeeze %dma_start3A_13 : memref<1x128x32xf32, #tpu.memory_space<vmem>> -> memref<128x32xf32, #tpu.memory_space<vmem>>
    %dma_start3A_15 = arith.constant 0 : i32
    %dma_start3A_16 = tpu.memref_slice %arg3[%add3A_9, %dma_start3A_15] : memref<16384x32xf32, #tpu.memory_space<hbm>> -> memref<128x32xf32, #tpu.memory_space<hbm>>
    %dma_start3A_17 = arith.constant 0 : i32
    %dma_start3A_18 = arith.constant 0 : i32
    %dma_start3A_19 = tpu.memref_slice %arg10[%dma_start3A_10, %dma_start3A_17, %dma_start3A_18] : memref<4x128x32xf32, #tpu.memory_space<vmem>> -> memref<1x128x32xf32, #tpu.memory_space<vmem>>
    %dma_start3A_20 = tpu.memref_squeeze %dma_start3A_19 : memref<1x128x32xf32, #tpu.memory_space<vmem>> -> memref<128x32xf32, #tpu.memory_space<vmem>>
    %dma_start3A_21 = arith.constant 0 : i32
    %dma_start3A_22 = tpu.memref_slice %arg3[%add3A_9, %dma_start3A_21] : memref<16384x32xf32, #tpu.memory_space<hbm>> -> memref<128x32xf32, #tpu.memory_space<hbm>>
    tpu.enqueue_dma source(%dma_start3A_22 : memref<128x32xf32, #tpu.memory_space<hbm>>) target(%dma_start3A_20 : memref<128x32xf32, #tpu.memory_space<vmem>>) target_semaphore(%arg12 : memref<!tpu.dma_semaphore, #tpu.memory_space<semaphore_mem>>)
    %add3A_23 = arith.constant 128 : i32
    %add3A_24 = arith.addi %mul3A_4, %add3A_23 : i32
    %dma_start3A_25 = tpu.memref_slice %arg2[%add3A_24] : memref<16384xi32, #tpu.memory_space<hbm>> -> memref<128xi32, #tpu.memory_space<hbm>>
    %dma_start3A_26 = tpu.memref_slice %arg2[%add3A_24] : memref<16384xi32, #tpu.memory_space<hbm>> -> memref<128xi32, #tpu.memory_space<hbm>>
    tpu.enqueue_dma source(%dma_start3A_26 : memref<128xi32, #tpu.memory_space<hbm>>) target(%arg7 : memref<128xi32, #tpu.memory_space<vmem>>) target_semaphore(%arg12 : memref<!tpu.dma_semaphore, #tpu.memory_space<semaphore_mem>>)
    %add3A_27 = arith.constant 128 : i32
    %add3A_28 = arith.addi %mul3A_4, %add3A_27 : i32
    %dma_start3A_29 = arith.constant 1 : i32
    %dma_start3A_30 = arith.constant 0 : i32
    %dma_start3A_31 = arith.constant 0 : i32
    %dma_start3A_32 = tpu.memref_slice %arg10[%dma_start3A_29, %dma_start3A_30, %dma_start3A_31] : memref<4x128x32xf32, #tpu.memory_space<vmem>> -> memref<1x128x32xf32, #tpu.memory_space<vmem>>
    %dma_start3A_33 = tpu.memref_squeeze %dma_start3A_32 : memref<1x128x32xf32, #tpu.memory_space<vmem>> -> memref<128x32xf32, #tpu.memory_space<vmem>>
    %dma_start3A_34 = arith.constant 0 : i32
    %dma_start3A_35 = tpu.memref_slice %arg3[%add3A_28, %dma_start3A_34] : memref<16384x32xf32, #tpu.memory_space<hbm>> -> memref<128x32xf32, #tpu.memory_space<hbm>>
    %dma_start3A_36 = arith.constant 0 : i32
    %dma_start3A_37 = arith.constant 0 : i32
    %dma_start3A_38 = tpu.memref_slice %arg10[%dma_start3A_29, %dma_start3A_36, %dma_start3A_37] : memref<4x128x32xf32, #tpu.memory_space<vmem>> -> memref<1x128x32xf32, #tpu.memory_space<vmem>>
    %dma_start3A_39 = tpu.memref_squeeze %dma_start3A_38 : memref<1x128x32xf32, #tpu.memory_space<vmem>> -> memref<128x32xf32, #tpu.memory_space<vmem>>
    %dma_start3A_40 = arith.constant 0 : i32
    %dma_start3A_41 = tpu.memref_slice %arg3[%add3A_28, %dma_start3A_40] : memref<16384x32xf32, #tpu.memory_space<hbm>> -> memref<128x32xf32, #tpu.memory_space<hbm>>
    tpu.enqueue_dma source(%dma_start3A_41 : memref<128x32xf32, #tpu.memory_space<hbm>>) target(%dma_start3A_39 : memref<128x32xf32, #tpu.memory_space<vmem>>) target_semaphore(%arg12 : memref<!tpu.dma_semaphore, #tpu.memory_space<semaphore_mem>>)
    %add3A_42 = arith.constant 256 : i32
    %add3A_43 = arith.addi %mul3A_4, %add3A_42 : i32
    %dma_start3A_44 = tpu.memref_slice %arg2[%add3A_43] : memref<16384xi32, #tpu.memory_space<hbm>> -> memref<128xi32, #tpu.memory_space<hbm>>
    %dma_start3A_45 = tpu.memref_slice %arg2[%add3A_43] : memref<16384xi32, #tpu.memory_space<hbm>> -> memref<128xi32, #tpu.memory_space<hbm>>
    tpu.enqueue_dma source(%dma_start3A_45 : memref<128xi32, #tpu.memory_space<hbm>>) target(%arg8 : memref<128xi32, #tpu.memory_space<vmem>>) target_semaphore(%arg12 : memref<!tpu.dma_semaphore, #tpu.memory_space<semaphore_mem>>)
    %add3A_46 = arith.constant 256 : i32
    %add3A_47 = arith.addi %mul3A_4, %add3A_46 : i32
    %dma_start3A_48 = arith.constant 2 : i32
    %dma_start3A_49 = arith.constant 0 : i32
    %dma_start3A_50 = arith.constant 0 : i32
    %dma_start3A_51 = tpu.memref_slice %arg10[%dma_start3A_48, %dma_start3A_49, %dma_start3A_50] : memref<4x128x32xf32, #tpu.memory_space<vmem>> -> memref<1x128x32xf32, #tpu.memory_space<vmem>>
    %dma_start3A_52 = tpu.memref_squeeze %dma_start3A_51 : memref<1x128x32xf32, #tpu.memory_space<vmem>> -> memref<128x32xf32, #tpu.memory_space<vmem>>
    %dma_start3A_53 = arith.constant 0 : i32
    %dma_start3A_54 = tpu.memref_slice %arg3[%add3A_47, %dma_start3A_53] : memref<16384x32xf32, #tpu.memory_space<hbm>> -> memref<128x32xf32, #tpu.memory_space<hbm>>
    %dma_start3A_55 = arith.constant 0 : i32
    %dma_start3A_56 = arith.constant 0 : i32
    %dma_start3A_57 = tpu.memref_slice %arg10[%dma_start3A_48, %dma_start3A_55, %dma_start3A_56] : memref<4x128x32xf32, #tpu.memory_space<vmem>> -> memref<1x128x32xf32, #tpu.memory_space<vmem>>
    %dma_start3A_58 = tpu.memref_squeeze %dma_start3A_57 : memref<1x128x32xf32, #tpu.memory_space<vmem>> -> memref<128x32xf32, #tpu.memory_space<vmem>>
    %dma_start3A_59 = arith.constant 0 : i32
    %dma_start3A_60 = tpu.memref_slice %arg3[%add3A_47, %dma_start3A_59] : memref<16384x32xf32, #tpu.memory_space<hbm>> -> memref<128x32xf32, #tpu.memory_space<hbm>>
    tpu.enqueue_dma source(%dma_start3A_60 : memref<128x32xf32, #tpu.memory_space<hbm>>) target(%dma_start3A_58 : memref<128x32xf32, #tpu.memory_space<vmem>>) target_semaphore(%arg12 : memref<!tpu.dma_semaphore, #tpu.memory_space<semaphore_mem>>)
    %add3A_61 = arith.constant 384 : i32
    %add3A_62 = arith.addi %mul3A_4, %add3A_61 : i32
    %dma_start3A_63 = tpu.memref_slice %arg2[%add3A_62] : memref<16384xi32, #tpu.memory_space<hbm>> -> memref<128xi32, #tpu.memory_space<hbm>>
    %dma_start3A_64 = tpu.memref_slice %arg2[%add3A_62] : memref<16384xi32, #tpu.memory_space<hbm>> -> memref<128xi32, #tpu.memory_space<hbm>>
    tpu.enqueue_dma source(%dma_start3A_64 : memref<128xi32, #tpu.memory_space<hbm>>) target(%arg9 : memref<128xi32, #tpu.memory_space<vmem>>) target_semaphore(%arg12 : memref<!tpu.dma_semaphore, #tpu.memory_space<semaphore_mem>>)
    %add3A_65 = arith.constant 384 : i32
    %add3A_66 = arith.addi %mul3A_4, %add3A_65 : i32
    %dma_start3A_67 = arith.constant 3 : i32
    %dma_start3A_68 = arith.constant 0 : i32
    %dma_start3A_69 = arith.constant 0 : i32
    %dma_start3A_70 = tpu.memref_slice %arg10[%dma_start3A_67, %dma_start3A_68, %dma_start3A_69] : memref<4x128x32xf32, #tpu.memory_space<vmem>> -> memref<1x128x32xf32, #tpu.memory_space<vmem>>
    %dma_start3A_71 = tpu.memref_squeeze %dma_start3A_70 : memref<1x128x32xf32, #tpu.memory_space<vmem>> -> memref<128x32xf32, #tpu.memory_space<vmem>>
    %dma_start3A_72 = arith.constant 0 : i32
    %dma_start3A_73 = tpu.memref_slice %arg3[%add3A_66, %dma_start3A_72] : memref<16384x32xf32, #tpu.memory_space<hbm>> -> memref<128x32xf32, #tpu.memory_space<hbm>>
    %dma_start3A_74 = arith.constant 0 : i32
    %dma_start3A_75 = arith.constant 0 : i32
    %dma_start3A_76 = tpu.memref_slice %arg10[%dma_start3A_67, %dma_start3A_74, %dma_start3A_75] : memref<4x128x32xf32, #tpu.memory_space<vmem>> -> memref<1x128x32xf32, #tpu.memory_space<vmem>>
    %dma_start3A_77 = tpu.memref_squeeze %dma_start3A_76 : memref<1x128x32xf32, #tpu.memory_space<vmem>> -> memref<128x32xf32, #tpu.memory_space<vmem>>
    %dma_start3A_78 = arith.constant 0 : i32
    %dma_start3A_79 = tpu.memref_slice %arg3[%add3A_66, %dma_start3A_78] : memref<16384x32xf32, #tpu.memory_space<hbm>> -> memref<128x32xf32, #tpu.memory_space<hbm>>
    tpu.enqueue_dma source(%dma_start3A_79 : memref<128x32xf32, #tpu.memory_space<hbm>>) target(%dma_start3A_77 : memref<128x32xf32, #tpu.memory_space<vmem>>) target_semaphore(%arg12 : memref<!tpu.dma_semaphore, #tpu.memory_space<semaphore_mem>>)
    %dma_wait3A = tpu.memref_slice %arg2[%add3A_6] : memref<16384xi32, #tpu.memory_space<hbm>> -> memref<128xi32, #tpu.memory_space<hbm>>
    %dma_wait3A_80 = tpu.memref_slice %arg2[%add3A_6] : memref<16384xi32, #tpu.memory_space<hbm>> -> memref<128xi32, #tpu.memory_space<hbm>>
    tpu.wait_dma2 semaphore(%arg12 : memref<!tpu.dma_semaphore, #tpu.memory_space<semaphore_mem>>) src(%dma_wait3A_80 : memref<128xi32, #tpu.memory_space<hbm>>) dst(%arg6 : memref<128xi32, #tpu.memory_space<vmem>>)
    %dma_wait3A_81 = arith.constant 0 : i32
    %dma_wait3A_82 = arith.constant 0 : i32
    %dma_wait3A_83 = arith.constant 0 : i32
    %dma_wait3A_84 = tpu.memref_slice %arg10[%dma_wait3A_81, %dma_wait3A_82, %dma_wait3A_83] : memref<4x128x32xf32, #tpu.memory_space<vmem>> -> memref<1x128x32xf32, #tpu.memory_space<vmem>>
    %dma_wait3A_85 = tpu.memref_squeeze %dma_wait3A_84 : memref<1x128x32xf32, #tpu.memory_space<vmem>> -> memref<128x32xf32, #tpu.memory_space<vmem>>
    %dma_wait3A_86 = arith.constant 0 : i32
    %dma_wait3A_87 = tpu.memref_slice %arg3[%add3A_9, %dma_wait3A_86] : memref<16384x32xf32, #tpu.memory_space<hbm>> -> memref<128x32xf32, #tpu.memory_space<hbm>>
    %dma_wait3A_88 = arith.constant 0 : i32
    %dma_wait3A_89 = arith.constant 0 : i32
    %dma_wait3A_90 = tpu.memref_slice %arg10[%dma_wait3A_81, %dma_wait3A_88, %dma_wait3A_89] : memref<4x128x32xf32, #tpu.memory_space<vmem>> -> memref<1x128x32xf32, #tpu.memory_space<vmem>>
    %dma_wait3A_91 = tpu.memref_squeeze %dma_wait3A_90 : memref<1x128x32xf32, #tpu.memory_space<vmem>> -> memref<128x32xf32, #tpu.memory_space<vmem>>
    %dma_wait3A_92 = arith.constant 0 : i32
    %dma_wait3A_93 = tpu.memref_slice %arg3[%add3A_9, %dma_wait3A_92] : memref<16384x32xf32, #tpu.memory_space<hbm>> -> memref<128x32xf32, #tpu.memory_space<hbm>>
    tpu.wait_dma2 semaphore(%arg12 : memref<!tpu.dma_semaphore, #tpu.memory_space<semaphore_mem>>) src(%dma_wait3A_93 : memref<128x32xf32, #tpu.memory_space<hbm>>) dst(%dma_wait3A_91 : memref<128x32xf32, #tpu.memory_space<vmem>>)
    %dma_wait3A_94 = tpu.memref_slice %arg2[%add3A_24] : memref<16384xi32, #tpu.memory_space<hbm>> -> memref<128xi32, #tpu.memory_space<hbm>>
    %dma_wait3A_95 = tpu.memref_slice %arg2[%add3A_24] : memref<16384xi32, #tpu.memory_space<hbm>> -> memref<128xi32, #tpu.memory_space<hbm>>
    tpu.wait_dma2 semaphore(%arg12 : memref<!tpu.dma_semaphore, #tpu.memory_space<semaphore_mem>>) src(%dma_wait3A_95 : memref<128xi32, #tpu.memory_space<hbm>>) dst(%arg7 : memref<128xi32, #tpu.memory_space<vmem>>)
    %dma_wait3A_96 = arith.constant 1 : i32
    %dma_wait3A_97 = arith.constant 0 : i32
    %dma_wait3A_98 = arith.constant 0 : i32
    %dma_wait3A_99 = tpu.memref_slice %arg10[%dma_wait3A_96, %dma_wait3A_97, %dma_wait3A_98] : memref<4x128x32xf32, #tpu.memory_space<vmem>> -> memref<1x128x32xf32, #tpu.memory_space<vmem>>
    %dma_wait3A_100 = tpu.memref_squeeze %dma_wait3A_99 : memref<1x128x32xf32, #tpu.memory_space<vmem>> -> memref<128x32xf32, #tpu.memory_space<vmem>>
    %dma_wait3A_101 = arith.constant 0 : i32
    %dma_wait3A_102 = tpu.memref_slice %arg3[%add3A_28, %dma_wait3A_101] : memref<16384x32xf32, #tpu.memory_space<hbm>> -> memref<128x32xf32, #tpu.memory_space<hbm>>
    %dma_wait3A_103 = arith.constant 0 : i32
    %dma_wait3A_104 = arith.constant 0 : i32
    %dma_wait3A_105 = tpu.memref_slice %arg10[%dma_wait3A_96, %dma_wait3A_103, %dma_wait3A_104] : memref<4x128x32xf32, #tpu.memory_space<vmem>> -> memref<1x128x32xf32, #tpu.memory_space<vmem>>
    %dma_wait3A_106 = tpu.memref_squeeze %dma_wait3A_105 : memref<1x128x32xf32, #tpu.memory_space<vmem>> -> memref<128x32xf32, #tpu.memory_space<vmem>>
    %dma_wait3A_107 = arith.constant 0 : i32
    %dma_wait3A_108 = tpu.memref_slice %arg3[%add3A_28, %dma_wait3A_107] : memref<16384x32xf32, #tpu.memory_space<hbm>> -> memref<128x32xf32, #tpu.memory_space<hbm>>
    tpu.wait_dma2 semaphore(%arg12 : memref<!tpu.dma_semaphore, #tpu.memory_space<semaphore_mem>>) src(%dma_wait3A_108 : memref<128x32xf32, #tpu.memory_space<hbm>>) dst(%dma_wait3A_106 : memref<128x32xf32, #tpu.memory_space<vmem>>)
    %dma_wait3A_109 = tpu.memref_slice %arg2[%add3A_43] : memref<16384xi32, #tpu.memory_space<hbm>> -> memref<128xi32, #tpu.memory_space<hbm>>
    %dma_wait3A_110 = tpu.memref_slice %arg2[%add3A_43] : memref<16384xi32, #tpu.memory_space<hbm>> -> memref<128xi32, #tpu.memory_space<hbm>>
    tpu.wait_dma2 semaphore(%arg12 : memref<!tpu.dma_semaphore, #tpu.memory_space<semaphore_mem>>) src(%dma_wait3A_110 : memref<128xi32, #tpu.memory_space<hbm>>) dst(%arg8 : memref<128xi32, #tpu.memory_space<vmem>>)
    %dma_wait3A_111 = arith.constant 2 : i32
    %dma_wait3A_112 = arith.constant 0 : i32
    %dma_wait3A_113 = arith.constant 0 : i32
    %dma_wait3A_114 = tpu.memref_slice %arg10[%dma_wait3A_111, %dma_wait3A_112, %dma_wait3A_113] : memref<4x128x32xf32, #tpu.memory_space<vmem>> -> memref<1x128x32xf32, #tpu.memory_space<vmem>>
    %dma_wait3A_115 = tpu.memref_squeeze %dma_wait3A_114 : memref<1x128x32xf32, #tpu.memory_space<vmem>> -> memref<128x32xf32, #tpu.memory_space<vmem>>
    %dma_wait3A_116 = arith.constant 0 : i32
    %dma_wait3A_117 = tpu.memref_slice %arg3[%add3A_47, %dma_wait3A_116] : memref<16384x32xf32, #tpu.memory_space<hbm>> -> memref<128x32xf32, #tpu.memory_space<hbm>>
    %dma_wait3A_118 = arith.constant 0 : i32
    %dma_wait3A_119 = arith.constant 0 : i32
    %dma_wait3A_120 = tpu.memref_slice %arg10[%dma_wait3A_111, %dma_wait3A_118, %dma_wait3A_119] : memref<4x128x32xf32, #tpu.memory_space<vmem>> -> memref<1x128x32xf32, #tpu.memory_space<vmem>>
    %dma_wait3A_121 = tpu.memref_squeeze %dma_wait3A_120 : memref<1x128x32xf32, #tpu.memory_space<vmem>> -> memref<128x32xf32, #tpu.memory_space<vmem>>
    %dma_wait3A_122 = arith.constant 0 : i32
    %dma_wait3A_123 = tpu.memref_slice %arg3[%add3A_47, %dma_wait3A_122] : memref<16384x32xf32, #tpu.memory_space<hbm>> -> memref<128x32xf32, #tpu.memory_space<hbm>>
    tpu.wait_dma2 semaphore(%arg12 : memref<!tpu.dma_semaphore, #tpu.memory_space<semaphore_mem>>) src(%dma_wait3A_123 : memref<128x32xf32, #tpu.memory_space<hbm>>) dst(%dma_wait3A_121 : memref<128x32xf32, #tpu.memory_space<vmem>>)
    %dma_wait3A_124 = tpu.memref_slice %arg2[%add3A_62] : memref<16384xi32, #tpu.memory_space<hbm>> -> memref<128xi32, #tpu.memory_space<hbm>>
    %dma_wait3A_125 = tpu.memref_slice %arg2[%add3A_62] : memref<16384xi32, #tpu.memory_space<hbm>> -> memref<128xi32, #tpu.memory_space<hbm>>
    tpu.wait_dma2 semaphore(%arg12 : memref<!tpu.dma_semaphore, #tpu.memory_space<semaphore_mem>>) src(%dma_wait3A_125 : memref<128xi32, #tpu.memory_space<hbm>>) dst(%arg9 : memref<128xi32, #tpu.memory_space<vmem>>)
    %dma_wait3A_126 = arith.constant 3 : i32
    %dma_wait3A_127 = arith.constant 0 : i32
    %dma_wait3A_128 = arith.constant 0 : i32
    %dma_wait3A_129 = tpu.memref_slice %arg10[%dma_wait3A_126, %dma_wait3A_127, %dma_wait3A_128] : memref<4x128x32xf32, #tpu.memory_space<vmem>> -> memref<1x128x32xf32, #tpu.memory_space<vmem>>
    %dma_wait3A_130 = tpu.memref_squeeze %dma_wait3A_129 : memref<1x128x32xf32, #tpu.memory_space<vmem>> -> memref<128x32xf32, #tpu.memory_space<vmem>>
    %dma_wait3A_131 = arith.constant 0 : i32
    %dma_wait3A_132 = tpu.memref_slice %arg3[%add3A_66, %dma_wait3A_131] : memref<16384x32xf32, #tpu.memory_space<hbm>> -> memref<128x32xf32, #tpu.memory_space<hbm>>
    %dma_wait3A_133 = arith.constant 0 : i32
    %dma_wait3A_134 = arith.constant 0 : i32
    %dma_wait3A_135 = tpu.memref_slice %arg10[%dma_wait3A_126, %dma_wait3A_133, %dma_wait3A_134] : memref<4x128x32xf32, #tpu.memory_space<vmem>> -> memref<1x128x32xf32, #tpu.memory_space<vmem>>
    %dma_wait3A_136 = tpu.memref_squeeze %dma_wait3A_135 : memref<1x128x32xf32, #tpu.memory_space<vmem>> -> memref<128x32xf32, #tpu.memory_space<vmem>>
    %dma_wait3A_137 = arith.constant 0 : i32
    %dma_wait3A_138 = tpu.memref_slice %arg3[%add3A_66, %dma_wait3A_137] : memref<16384x32xf32, #tpu.memory_space<hbm>> -> memref<128x32xf32, #tpu.memory_space<hbm>>
    tpu.wait_dma2 semaphore(%arg12 : memref<!tpu.dma_semaphore, #tpu.memory_space<semaphore_mem>>) src(%dma_wait3A_138 : memref<128x32xf32, #tpu.memory_space<hbm>>) dst(%dma_wait3A_136 : memref<128x32xf32, #tpu.memory_space<vmem>>)
    %run_scoped3A = arith.constant 0 : i32
    "tpu.region"() ({
      %run_scoped3A_146 = tpu.sem_alloc : memref<!tpu.dma_semaphore, #tpu.memory_space<semaphore_mem>>
      %dma_start3A_147 = arith.constant 0 : i32
      %dma_start3A_148 = arith.constant 0 : i32
      %dma_start3A_149 = tpu.memref_slice %arg10[%run_scoped3A, %dma_start3A_147, %dma_start3A_148] : memref<4x128x32xf32, #tpu.memory_space<vmem>> -> memref<1x128x32xf32, #tpu.memory_space<vmem>>
      %dma_start3A_150 = tpu.memref_squeeze %dma_start3A_149 : memref<1x128x32xf32, #tpu.memory_space<vmem>> -> memref<128x32xf32, #tpu.memory_space<vmem>>
      %dma_start3A_151 = arith.constant 0 : i32
      %dma_start3A_152 = arith.constant 0 : i32
      %dma_start3A_153 = tpu.memref_slice %arg11[%dma_start3A_151, %dma_start3A_152] : memref<16384x32xf32, #tpu.memory_space<vmem_shared>> -> memref<16384x32xf32, #tpu.memory_space<vmem_shared>>
      tpu.enqueue_indirect_dma source(%dma_start3A_150 : memref<128x32xf32, #tpu.memory_space<vmem>>) target(%dma_start3A_153 : memref<16384x32xf32, #tpu.memory_space<vmem_shared>>) offsets(%arg6 : memref<128xi32, #tpu.memory_space<vmem>>) semaphore(%run_scoped3A_146 : memref<!tpu.dma_semaphore, #tpu.memory_space<semaphore_mem>>) {add = true}
      %dma_wait3A_154 = arith.constant 0 : i32
      %dma_wait3A_155 = arith.constant 0 : i32
      %dma_wait3A_156 = tpu.memref_slice %arg10[%run_scoped3A, %dma_wait3A_154, %dma_wait3A_155] : memref<4x128x32xf32, #tpu.memory_space<vmem>> -> memref<1x128x32xf32, #tpu.memory_space<vmem>>
      %dma_wait3A_157 = tpu.memref_squeeze %dma_wait3A_156 : memref<1x128x32xf32, #tpu.memory_space<vmem>> -> memref<128x32xf32, #tpu.memory_space<vmem>>
      %dma_wait3A_158 = arith.constant 0 : i32
      %dma_wait3A_159 = arith.constant 0 : i32
      %dma_wait3A_160 = tpu.memref_slice %arg11[%dma_wait3A_158, %dma_wait3A_159] : memref<16384x32xf32, #tpu.memory_space<vmem_shared>> -> memref<16384x32xf32, #tpu.memory_space<vmem_shared>>
      tpu.wait_indirect_dma semaphore(%run_scoped3A_146 : memref<!tpu.dma_semaphore, #tpu.memory_space<semaphore_mem>>) src(%dma_wait3A_157 : memref<128x32xf32, #tpu.memory_space<vmem>>) dst(%dma_wait3A_160 : memref<16384x32xf32, #tpu.memory_space<vmem_shared>>)
      tpu.yield
    }) : () -> ()
    %run_scoped3A_139 = arith.constant 1 : i32
    "tpu.region"() ({
      %run_scoped3A_146 = tpu.sem_alloc : memref<!tpu.dma_semaphore, #tpu.memory_space<semaphore_mem>>
      %dma_start3A_147 = arith.constant 0 : i32
      %dma_start3A_148 = arith.constant 0 : i32
      %dma_start3A_149 = tpu.memref_slice %arg10[%run_scoped3A_139, %dma_start3A_147, %dma_start3A_148] : memref<4x128x32xf32, #tpu.memory_space<vmem>> -> memref<1x128x32xf32, #tpu.memory_space<vmem>>
      %dma_start3A_150 = tpu.memref_squeeze %dma_start3A_149 : memref<1x128x32xf32, #tpu.memory_space<vmem>> -> memref<128x32xf32, #tpu.memory_space<vmem>>
      %dma_start3A_151 = arith.constant 0 : i32
      %dma_start3A_152 = arith.constant 0 : i32
      %dma_start3A_153 = tpu.memref_slice %arg11[%dma_start3A_151, %dma_start3A_152] : memref<16384x32xf32, #tpu.memory_space<vmem_shared>> -> memref<16384x32xf32, #tpu.memory_space<vmem_shared>>
      tpu.enqueue_indirect_dma source(%dma_start3A_150 : memref<128x32xf32, #tpu.memory_space<vmem>>) target(%dma_start3A_153 : memref<16384x32xf32, #tpu.memory_space<vmem_shared>>) offsets(%arg7 : memref<128xi32, #tpu.memory_space<vmem>>) semaphore(%run_scoped3A_146 : memref<!tpu.dma_semaphore, #tpu.memory_space<semaphore_mem>>) {add = true}
      %dma_wait3A_154 = arith.constant 0 : i32
      %dma_wait3A_155 = arith.constant 0 : i32
      %dma_wait3A_156 = tpu.memref_slice %arg10[%run_scoped3A_139, %dma_wait3A_154, %dma_wait3A_155] : memref<4x128x32xf32, #tpu.memory_space<vmem>> -> memref<1x128x32xf32, #tpu.memory_space<vmem>>
      %dma_wait3A_157 = tpu.memref_squeeze %dma_wait3A_156 : memref<1x128x32xf32, #tpu.memory_space<vmem>> -> memref<128x32xf32, #tpu.memory_space<vmem>>
      %dma_wait3A_158 = arith.constant 0 : i32
      %dma_wait3A_159 = arith.constant 0 : i32
      %dma_wait3A_160 = tpu.memref_slice %arg11[%dma_wait3A_158, %dma_wait3A_159] : memref<16384x32xf32, #tpu.memory_space<vmem_shared>> -> memref<16384x32xf32, #tpu.memory_space<vmem_shared>>
      tpu.wait_indirect_dma semaphore(%run_scoped3A_146 : memref<!tpu.dma_semaphore, #tpu.memory_space<semaphore_mem>>) src(%dma_wait3A_157 : memref<128x32xf32, #tpu.memory_space<vmem>>) dst(%dma_wait3A_160 : memref<16384x32xf32, #tpu.memory_space<vmem_shared>>)
      tpu.yield
    }) : () -> ()
    %run_scoped3A_140 = arith.constant 2 : i32
    "tpu.region"() ({
      %run_scoped3A_146 = tpu.sem_alloc : memref<!tpu.dma_semaphore, #tpu.memory_space<semaphore_mem>>
      %dma_start3A_147 = arith.constant 0 : i32
      %dma_start3A_148 = arith.constant 0 : i32
      %dma_start3A_149 = tpu.memref_slice %arg10[%run_scoped3A_140, %dma_start3A_147, %dma_start3A_148] : memref<4x128x32xf32, #tpu.memory_space<vmem>> -> memref<1x128x32xf32, #tpu.memory_space<vmem>>
      %dma_start3A_150 = tpu.memref_squeeze %dma_start3A_149 : memref<1x128x32xf32, #tpu.memory_space<vmem>> -> memref<128x32xf32, #tpu.memory_space<vmem>>
      %dma_start3A_151 = arith.constant 0 : i32
      %dma_start3A_152 = arith.constant 0 : i32
      %dma_start3A_153 = tpu.memref_slice %arg11[%dma_start3A_151, %dma_start3A_152] : memref<16384x32xf32, #tpu.memory_space<vmem_shared>> -> memref<16384x32xf32, #tpu.memory_space<vmem_shared>>
      tpu.enqueue_indirect_dma source(%dma_start3A_150 : memref<128x32xf32, #tpu.memory_space<vmem>>) target(%dma_start3A_153 : memref<16384x32xf32, #tpu.memory_space<vmem_shared>>) offsets(%arg8 : memref<128xi32, #tpu.memory_space<vmem>>) semaphore(%run_scoped3A_146 : memref<!tpu.dma_semaphore, #tpu.memory_space<semaphore_mem>>) {add = true}
      %dma_wait3A_154 = arith.constant 0 : i32
      %dma_wait3A_155 = arith.constant 0 : i32
      %dma_wait3A_156 = tpu.memref_slice %arg10[%run_scoped3A_140, %dma_wait3A_154, %dma_wait3A_155] : memref<4x128x32xf32, #tpu.memory_space<vmem>> -> memref<1x128x32xf32, #tpu.memory_space<vmem>>
      %dma_wait3A_157 = tpu.memref_squeeze %dma_wait3A_156 : memref<1x128x32xf32, #tpu.memory_space<vmem>> -> memref<128x32xf32, #tpu.memory_space<vmem>>
      %dma_wait3A_158 = arith.constant 0 : i32
      %dma_wait3A_159 = arith.constant 0 : i32
      %dma_wait3A_160 = tpu.memref_slice %arg11[%dma_wait3A_158, %dma_wait3A_159] : memref<16384x32xf32, #tpu.memory_space<vmem_shared>> -> memref<16384x32xf32, #tpu.memory_space<vmem_shared>>
      tpu.wait_indirect_dma semaphore(%run_scoped3A_146 : memref<!tpu.dma_semaphore, #tpu.memory_space<semaphore_mem>>) src(%dma_wait3A_157 : memref<128x32xf32, #tpu.memory_space<vmem>>) dst(%dma_wait3A_160 : memref<16384x32xf32, #tpu.memory_space<vmem_shared>>)
      tpu.yield
    }) : () -> ()
    %run_scoped3A_141 = arith.constant 3 : i32
    "tpu.region"() ({
      %run_scoped3A_146 = tpu.sem_alloc : memref<!tpu.dma_semaphore, #tpu.memory_space<semaphore_mem>>
      %dma_start3A_147 = arith.constant 0 : i32
      %dma_start3A_148 = arith.constant 0 : i32
      %dma_start3A_149 = tpu.memref_slice %arg10[%run_scoped3A_141, %dma_start3A_147, %dma_start3A_148] : memref<4x128x32xf32, #tpu.memory_space<vmem>> -> memref<1x128x32xf32, #tpu.memory_space<vmem>>
      %dma_start3A_150 = tpu.memref_squeeze %dma_start3A_149 : memref<1x128x32xf32, #tpu.memory_space<vmem>> -> memref<128x32xf32, #tpu.memory_space<vmem>>
      %dma_start3A_151 = arith.constant 0 : i32
      %dma_start3A_152 = arith.constant 0 : i32
      %dma_start3A_153 = tpu.memref_slice %arg11[%dma_start3A_151, %dma_start3A_152] : memref<16384x32xf32, #tpu.memory_space<vmem_shared>> -> memref<16384x32xf32, #tpu.memory_space<vmem_shared>>
      tpu.enqueue_indirect_dma source(%dma_start3A_150 : memref<128x32xf32, #tpu.memory_space<vmem>>) target(%dma_start3A_153 : memref<16384x32xf32, #tpu.memory_space<vmem_shared>>) offsets(%arg9 : memref<128xi32, #tpu.memory_space<vmem>>) semaphore(%run_scoped3A_146 : memref<!tpu.dma_semaphore, #tpu.memory_space<semaphore_mem>>) {add = true}
      %dma_wait3A_154 = arith.constant 0 : i32
      %dma_wait3A_155 = arith.constant 0 : i32
      %dma_wait3A_156 = tpu.memref_slice %arg10[%run_scoped3A_141, %dma_wait3A_154, %dma_wait3A_155] : memref<4x128x32xf32, #tpu.memory_space<vmem>> -> memref<1x128x32xf32, #tpu.memory_space<vmem>>
      %dma_wait3A_157 = tpu.memref_squeeze %dma_wait3A_156 : memref<1x128x32xf32, #tpu.memory_space<vmem>> -> memref<128x32xf32, #tpu.memory_space<vmem>>
      %dma_wait3A_158 = arith.constant 0 : i32
      %dma_wait3A_159 = arith.constant 0 : i32
      %dma_wait3A_160 = tpu.memref_slice %arg11[%dma_wait3A_158, %dma_wait3A_159] : memref<16384x32xf32, #tpu.memory_space<vmem_shared>> -> memref<16384x32xf32, #tpu.memory_space<vmem_shared>>
      tpu.wait_indirect_dma semaphore(%run_scoped3A_146 : memref<!tpu.dma_semaphore, #tpu.memory_space<semaphore_mem>>) src(%dma_wait3A_157 : memref<128x32xf32, #tpu.memory_space<vmem>>) dst(%dma_wait3A_160 : memref<16384x32xf32, #tpu.memory_space<vmem_shared>>)
      tpu.yield
    }) : () -> ()
    %barrier3A_142 = arith.constant 0 : index
    tpu.barrier barrier_id(%barrier3A_142)
    %mul3A_143 = arith.constant 16384 : i32
    %mul3A_144 = arith.muli %arg0, %mul3A_143 : i32
    %add3A_145 = arith.addi %mul3A_144, %mul3A_2 : i32
    "tpu.region"() ({
      %run_scoped3A_146 = tpu.sem_alloc : memref<!tpu.dma_semaphore, #tpu.memory_space<semaphore_mem>>
      %dma_start3A_147 = arith.constant 0 : i32
      %dma_start3A_148 = tpu.memref_slice %arg5[%add3A_145, %dma_start3A_147] : memref<32768x32xf32, #tpu.memory_space<hbm>> -> memref<1024x32xf32, #tpu.memory_space<hbm>>
      %dma_start3A_149 = arith.constant 0 : i32
      %dma_start3A_150 = tpu.memref_slice %arg11[%mul3A_2, %dma_start3A_149] : memref<16384x32xf32, #tpu.memory_space<vmem_shared>> -> memref<1024x32xf32, #tpu.memory_space<vmem_shared>>
      tpu.enqueue_dma source(%dma_start3A_150 : memref<1024x32xf32, #tpu.memory_space<vmem_shared>>) target(%dma_start3A_148 : memref<1024x32xf32, #tpu.memory_space<hbm>>) target_semaphore(%run_scoped3A_146 : memref<!tpu.dma_semaphore, #tpu.memory_space<semaphore_mem>>)
      %dma_wait3A_151 = arith.constant 0 : i32
      %dma_wait3A_152 = tpu.memref_slice %arg5[%add3A_145, %dma_wait3A_151] : memref<32768x32xf32, #tpu.memory_space<hbm>> -> memref<1024x32xf32, #tpu.memory_space<hbm>>
      %dma_wait3A_153 = arith.constant 0 : i32
      %dma_wait3A_154 = tpu.memref_slice %arg11[%mul3A_2, %dma_wait3A_153] : memref<16384x32xf32, #tpu.memory_space<vmem_shared>> -> memref<1024x32xf32, #tpu.memory_space<vmem_shared>>
      tpu.wait_dma2 semaphore(%run_scoped3A_146 : memref<!tpu.dma_semaphore, #tpu.memory_space<semaphore_mem>>) src(%dma_wait3A_154 : memref<1024x32xf32, #tpu.memory_space<vmem_shared>>) dst(%dma_wait3A_152 : memref<1024x32xf32, #tpu.memory_space<hbm>>)
      tpu.yield
    }) : () -> ()
    return
  }
}

module attributes {stable_mosaic.version = 14 : i64} {
  func.func @_tc_body(%arg0: i32, %arg1: memref<1024x2048xf32, #tpu.memory_space<vmem>>, %arg2: memref<2048x32xf32, #tpu.memory_space<vmem>>, %arg3: memref<2x1024x32xf32, #tpu.memory_space<vmem>>, %arg4: memref<1024x32xf32, #tpu.memory_space<vmem>>) attributes {dimension_semantics = [#tpu.dimension_semantics<arbitrary>], iteration_bounds = array<i64: 16>, scalar_prefetch = 0 : i64, scratch_operands = 0 : i64, tpu.core_type = #tpu.core_type<tc>, window_params = [{transform_indices = @transform_0, window_bounds = array<i64: 1024, 2048>}, {pipeline_mode = #tpu.pipeline_mode<synchronous>, transform_indices = @transform_1, window_bounds = array<i64: 2048, 32>}, {transform_indices = @transform_2, window_bounds = array<i64: 2, 1024, 32>}, {transform_indices = @transform_3, window_bounds = array<i64: 1024, 32>}]} {
    %get3A = arith.constant 0 : index
    %get3A_0 = arith.constant 0 : index
    %get3A_1 = vector.load %arg1[%get3A, %get3A_0] : memref<1024x2048xf32, #tpu.memory_space<vmem>>, vector<1024x2048xf32>
    %get3A_2 = arith.constant 0 : index
    %get3A_3 = arith.constant 0 : index
    %get3A_4 = vector.load %arg2[%get3A_2, %get3A_3] : memref<2048x32xf32, #tpu.memory_space<vmem>>, vector<2048x32xf32>
    %dot_general3A = arith.constant dense<0.000000e+00> : vector<1024x32xf32>
    %dot_general3A_5 = tpu.matmul %get3A_1, %get3A_4, %dot_general3A {dimension_numbers = #tpu.dot_dimension_numbers<[1], [0], [0], [1], [0, 0, 1, 1], [], []>, transpose_lhs_hint = false} : vector<1024x2048xf32>, vector<2048x32xf32>, vector<1024x32xf32> -> vector<1024x32xf32>
    %get3A_6 = arith.constant 0 : index
    %get3A_7 = arith.constant 0 : index
    %get3A_8 = arith.constant 0 : index
    %get3A_9 = vector.load %arg3[%get3A_6, %get3A_7, %get3A_8] : memref<2x1024x32xf32, #tpu.memory_space<vmem>>, vector<1x1024x32xf32>
    %get3A_10 = vector.shape_cast %get3A_9 : vector<1x1024x32xf32> to vector<1024x32xf32>
    %add3A = arith.addf %dot_general3A_5, %get3A_10 : vector<1024x32xf32>
    %get3A_11 = arith.constant 1 : index
    %get3A_12 = arith.constant 0 : index
    %get3A_13 = arith.constant 0 : index
    %get3A_14 = vector.load %arg3[%get3A_11, %get3A_12, %get3A_13] : memref<2x1024x32xf32, #tpu.memory_space<vmem>>, vector<1x1024x32xf32>
    %get3A_15 = vector.shape_cast %get3A_14 : vector<1x1024x32xf32> to vector<1024x32xf32>
    %add3A_16 = arith.addf %add3A, %get3A_15 : vector<1024x32xf32>
    %swap3A = arith.constant 0 : index
    %swap3A_17 = arith.constant 0 : index
    %swap3A_18 = vector.load %arg4[%swap3A, %swap3A_17] : memref<1024x32xf32, #tpu.memory_space<vmem>>, vector<1024x32xf32>
    tpu.vector_store %arg4[%swap3A, %swap3A_17], %add3A_16 {strides = array<i32>} : memref<1024x32xf32, #tpu.memory_space<vmem>>, vector<1024x32xf32>,
    return
  }
  func.func @transform_0(%arg0: i32) -> (i32, i32) {
    %c0_i32 = arith.constant 0 : i32
    %c0_i32_0 = arith.constant 0 : i32
    return %arg0, %c0_i32 : i32, i32
  }
  func.func @transform_1(%arg0: i32) -> (i32, i32) {
    %c0_i32 = arith.constant 0 : i32
    %c0_i32_0 = arith.constant 0 : i32
    %c0_i32_1 = arith.constant 0 : i32
    return %c0_i32, %c0_i32_0 : i32, i32
  }
  func.func @transform_2(%arg0: i32) -> (i32, i32, i32) {
    %c0_i32 = arith.constant 0 : i32
    %c0_i32_0 = arith.constant 0 : i32
    %c0_i32_1 = arith.constant 0 : i32
    return %c0_i32, %arg0, %c0_i32_0 : i32, i32, i32
  }
  func.func @transform_3(%arg0: i32) -> (i32, i32) {
    %c0_i32 = arith.constant 0 : i32
    %c0_i32_0 = arith.constant 0 : i32
    return %arg0, %c0_i32 : i32, i32
  }
}

</mosaic_0001>

<sc_bundles>
// kernel: kernel.4.cloned.1.call-start
scs
__scs_entry_jumppad:
0x0: {  	(pc) =	sbr.rel $0x88, $3  }
0x1: {  	(tag) =	ssettag $0x0;
	lr =	simm.s32 $0x1  }
0x2: {  	[smem:$0x3F9C] =	sst lr;
	_ =	strace $0xD0000000  }
0x3: {  	_ = 	snop  }
0x4: {  	_ = 	snop  }
0x5: {  	_ = 	snop  }
0x6: {  	_ = 	snop  }
0x7: {  	_ = 	snop  }
__scs_overlays_trampoline_lowered:
0x8: {  	[smem:$0x3FAB] =	sst s0  }
0x9: {  	[smem:$0x3FAC] =	sst s1  }
0xa: {  	[smem:$0x3FAD] =	sst s2  }
0xb: {  	[smem:$0x3FAE] =	sst s3  }
0xc: {  	[smem:$0x3FAF] =	sst s4  }
0xd: {  	[smem:$0x3FB0] =	sst s5  }
0xe: {  	[smem:$0x3FB1] =	sst s6  }
0xf: {  	[smem:$0x3FB2] =	sst s7  }
0x10: {  	[smem:$0x3FB3] =	sst s8  }
0x11: {  	[smem:$0x3FB4] =	sst s9;
	s0 =	simm.s32 @!p0 $0x0  }
0x12: {  	s1 =	sld [smem:$0x3F9A];
	s0 =	simm.s32 @p0 $0x1  }
0x13: {  	[smem:$0x3FB5] =	sst s0;
	s0 =	simm.s32 @!p1 $0x0  }
0x14: {  	s2 =	sld [smem:$0x3F99];
	s0 =	simm.s32 @p1 $0x1  }
0x15: {  	[smem:$0x3FB6] =	sst s0;
	s0 =	simm.s32 @!p2 $0x0  }
0x16: {  	s3 =	sld [smem:$0x3FDB];
	s0 =	simm.s32 @p2 $0x1  }
0x17: {  	s4 =	simm.s32 $0x1BF5;
	[smem:$0x3FB8] =	sst s0  }
0x18: {  	s0 =	sld [smem:$0x3F9B];
	_ =	swait.ge [sflag:s4], $0x0  }
0x19: {  	s7 =	sld [smem:$0x3F9C]  }
0x1a: {  	s8 =	sadd.s32 $0xFFFFE003, lr  }
0x1b: {  	s9 =	sadd.s32 $0xFFFFFEF7, lr;
	s5 =	simm.s32 $0xFFFFFFFF;
	p2 =	slt.u32 s8, $0xFFFFF086  }
0x1c: {  	p1 =	slt.u32 s9, $0xF7A;
	s5 =	simm.s32 @!p2 $0x0  }
0x1d: {  	s5 =	simm.s32 @p1 $0x1;
	p0 =	seq.s32 s7, s2  }
0x1e: {  	s7 =	smul.u32 @!p0 $0xF7A, s2;
	p2 =	seq.s32 @!p0 s5, $0x0  }
0x1f: {  	s9 =	smul.u32 $0xF7A, s1;
	s8 =	simm.s32 @!p0 $0x1BF5;
	p2 =	por !p2, p0  }
0x20: {  	[sflag:s8] =	ssyncset.s32 @!p0 $0xFFFFF086;
	s6 =	sadd.s32 @!p0 s3, s7;
	s7 =	simm.s32 @!p0 $0x108  }
0x21: {  	s3 =	sadd.s32 s3, s9;
	s6 =	sadd.s32 @!p0 $0x88, s6;
	s7 =	simm.s32 @p2 $0x1082  }
0x22: {  	[simem:s7], [sflag:s8] =	dma.local @!p0 [hbm:s6], $0xF7A  }
0x23: {  	s9 =	sor.u32 $0xD0000000, s2;
	s6 =	simm.s32 $0x108;
	_ =	swait.ge @!p0 [sflag:s8], $0x0  }
0x24: {  	s3 =	sadd.s32 $0x88, s3;
	s6 =	simm.s32 @!p1 $0x1082;
	[sflag:s4] =	ssyncset.s32 $0xFFFFF086  }
0x25: {  	[simem:s6], [sflag:s4] =	dma.local [hbm:s3], $0xF7A  }
0x26: {  	[smem:$0x3F9C] =	sst s1;
	(tag) =	ssettag s2;
	_ =	strace s9  }
0x27: {  	s1 =	sld [smem:$0x3FAC]  }
0x28: {  	s2 =	sld [smem:$0x3FAD]  }
0x29: {  	s4 =	sld [smem:$0x3FAF]  }
0x2a: {  	p0 =	seq.s32 s5, $0x0;
	s5 =	sld [smem:$0x3FB0]  }
0x2b: {  	s6 =	sld [smem:$0x3FB1]  }
0x2c: {  	s7 =	sld [smem:$0x3FB2]  }
0x2d: {  	s3 =	simm.s32 $0x108;
	s8 =	sld [smem:$0x3FB3]  }
0x2e: {  	s3 =	simm.s32 @!p0 $0x1082;
	s9 =	sld [smem:$0x3FB4]  }
0x2f: {  	lr =	sadd.s32 s0, s3;
	s0 =	sld [smem:$0x3FAB]  }
0x30: {  	s3 =	sld [smem:$0x3FAE]  }
0x31: {  	[smem:$0x3FB7] =	sst s10  }
0x32: {  	s10 =	sld [smem:$0x3FB5];
	_ =	sdelay $0x3  }
0x33: {  	p0 =	seq.s32 s10, $0x1;
	s10 =	sld [smem:$0x3FB7];
	_ =	sdelay $0x3  }
0x34: {  	[smem:$0x3FB7] =	sst s10  }
0x35: {  	s10 =	sld [smem:$0x3FB6];
	_ =	sdelay $0x3  }
0x36: {  	p1 =	seq.s32 s10, $0x1;
	s10 =	sld [smem:$0x3FB7];
	_ =	sdelay $0x3  }
0x37: {  	[smem:$0x3FB7] =	sst s10  }
0x38: {  	s10 =	sld [smem:$0x3FB8]  }
0x39: {  	_ = 	snop;
	(pc) =	sbr.ind lr, $3  }
0x3a: {  	_ = 	snop  }
0x3b: {  	_ = 	snop  }
0x3c: {  	p2 =	seq.s32 s10, $0x1;
	s10 =	sld [smem:$0x3FB7]  }
0x3d: {  	_ =	shalt  }
0x3e: {  	_ =	shalt  }
0x3f: {  	_ =	shalt  }
0x40: {  	_ =	shalt  }
0x41: {  	_ =	shalt  }
0x42: {  	_ =	shalt  }
0x43: {  	_ =	shalt  }
0x44: {  	_ =	shalt  }
0x45: {  	_ =	shalt  }
0x46: {  	_ =	shalt  }
0x47: {  	_ =	shalt  }
0x48: {  	_ =	shalt  }
0x49: {  	_ =	shalt  }
0x4a: {  	_ =	shalt  }
0x4b: {  	_ =	shalt  }
0x4c: {  	_ =	shalt  }
0x4d: {  	_ =	shalt  }
0x4e: {  	_ =	shalt  }
0x4f: {  	_ =	shalt  }
0x50: {  	_ =	shalt  }
0x51: {  	_ =	shalt  }
0x52: {  	_ =	shalt  }
0x53: {  	_ =	shalt  }
0x54: {  	_ =	shalt  }
0x55: {  	_ =	shalt  }
0x56: {  	_ =	shalt  }
0x57: {  	_ =	shalt  }
0x58: {  	_ =	shalt  }
0x59: {  	_ =	shalt  }
0x5a: {  	_ =	shalt  }
0x5b: {  	_ =	shalt  }
0x5c: {  	_ =	shalt  }
0x5d: {  	_ =	shalt  }
0x5e: {  	_ =	shalt  }
0x5f: {  	_ =	shalt  }
0x60: {  	_ =	shalt  }
0x61: {  	_ =	shalt  }
0x62: {  	_ =	shalt  }
0x63: {  	_ =	shalt  }
0x64: {  	_ =	shalt  }
0x65: {  	_ =	shalt  }
0x66: {  	_ =	shalt  }
0x67: {  	_ =	shalt  }
0x68: {  	_ =	shalt  }
0x69: {  	_ =	shalt  }
0x6a: {  	_ =	shalt  }
0x6b: {  	_ =	shalt  }
0x6c: {  	_ =	shalt  }
0x6d: {  	_ =	shalt  }
0x6e: {  	_ =	shalt  }
0x6f: {  	_ =	shalt  }
0x70: {  	_ =	shalt  }
0x71: {  	_ =	shalt  }
0x72: {  	_ =	shalt  }
0x73: {  	_ =	shalt  }
0x74: {  	_ =	shalt  }
0x75: {  	_ =	shalt  }
0x76: {  	_ =	shalt  }
0x77: {  	_ =	shalt  }
0x78: {  	_ =	shalt  }
0x79: {  	_ =	shalt  }
0x7a: {  	_ =	shalt  }
0x7b: {  	_ =	shalt  }
0x7c: {  	_ =	shalt  }
0x7d: {  	_ =	shalt  }
0x7e: {  	_ =	shalt  }
0x7f: {  	_ =	shalt  }
0x80: {  	_ =	shalt  }
0x81: {  	_ =	shalt  }
0x82: {  	_ =	shalt  }
0x83: {  	_ =	shalt  }
0x84: {  	_ =	shalt  }
0x85: {  	_ =	shalt  }
0x86: {  	_ =	shalt  }
0x87: {  	_ =	shalt  }
.Lfunc_end0:
.L_simem_size_0:
called_computation_lowered:
.L_overlay_start_0:
0x88: {  	s2 =	sld [smem:$0x3FD9]  }
0x89: {  	s3 =	sld [smem:$0x3FFE];
	_ =	sdelay $0x1  }
0x8a: {  	s1 =	srdreg.scid  }
0x8b: {  	s0 =	sand.u32 $0x1, s1  }
0x8c: {  	s17 =	sshll.u32 s0, $0xA;
	s2 =	sadd.s32 s3, s2  }
0x8d: {  	s2 =	sadd.s32 s2, s17  }
0x8e: {  	[smem:$0x3FC3] =	sst s2  }
0x8f: {  	_ = 	snop  }
0x90: {  	s2 =	sld [smem:$0x3FC8]  }
0x91: {  	s18 =	sld [smem:$0x3FD0];
	(tm) =	ssettm $0x1  }
0x92: {  	s4 =	sld [smem:$0x3FFB];
	_ =	sdelay $0x3  }
0x93: {  	_ =	strace s4  }
0x94: {  	s4 =	sld [smem:$0x3FFC];
	_ =	sdelay $0x3  }
0x95: {  	_ =	strace s4  }
0x96: {  	s4 =	sld [smem:$0x3FFD];
	_ =	sdelay $0x3  }
0x97: {  	_ =	strace s4  }
0x98: {  	_ =	strace $0x8FFFFFFF  }
0x99: {  	s19 =	sld [smem:$0x3FDB];
	_ =	sdelay $0x1  }
0x9a: {  	s5 =	simm.s32 $_scs_section_size  }
0x9b: {  	s6 =	simm.s32 $_size__tile_overlayer_lowered;
	s7 =	simm.s32 $_tile_overlayer_lowered  }
0x9c: {  	s22 =	simm.s32 $0x1BFF;
	s21 =	sshll.u32 s7, $0x1;
	s4 =	sadd.s32 s5, s19  }
0x9d: {  	s8 =	simm.s32 $0x0;
	s20 =	sshll.u32 s6, $0x1;
	s6 =	sadd.s32 s21, s4  }
0x9e: {  	[timem:s8], [sflag:s22] =	dma.local [hbm:s6], s20  }
0x9f: {  	_ =	swait.ge [sflag:s22], s20  }
0xa0: {  	s5 =	ssub.s32 $0x0, s20;
	[sflag:s22] =	ssyncset.done $0x0  }
0xa1: {  	[sflag:s22] =	ssyncadd.s32 s5;
	_ =	sdelay $0x1  }
0xa2: {  	s23 =	simm.s32 $0x1B8B  }
0xa3: {  	_ =	swait.ge [sflag:s23], $0x1  }
0xa4: {  	[sflag:s23] =	ssyncset.done $0x0  }
0xa5: {  	s25 =	simm.s32 $0x1B8E;
	s24 =	sld [smem:$0x3FFE];
	[sflag:s23] =	ssyncadd.s32 $0xFFFFFFFF  }
0xa6: {  	s26 =	simm.s32 $execute0_lowered;
	[smem:$0x3FD2] =	sst s25  }
0xa7: {  	s6 =	sshll.u32 s26, $0x1;
	_ =	strace $0x80000046;
	[dreg:$0x1] =	wrdreg $0xFFFFFFFF  }
0xa8: {  	s28 =	simm.s32 $_size_execute0_lowered;
	s4 =	sadd.s32 s4, s6;
	[dreg:$0x0] =	wrdreg $0x0  }
0xa9: {  	s6 =	sshll.u32 s28, $0x1;
	[dreg:$0x2] =	wrdreg s4  }
0xaa: {  	[dreg:$0x3] =	wrdreg s6  }
0xab: {  	[dreg:$0x4] =	wrdreg $0xC0  }
0xac: {  	_ =	task [dreg:s8], $0x5FFFF  }
0xad: {  	[dreg:$0x1] =	wrdreg $0xFFFFFFFF  }
0xae: {  	[dreg:$0x0] =	wrdreg $0x60  }
0xaf: {  	[dreg:$0x2] =	wrdreg s2  }
0xb0: {  	[dreg:$0x3] =	wrdreg s18  }
0xb1: {  	[dreg:$0x4] =	wrdreg s24  }
0xb2: {  	[dreg:$0x5] =	wrdreg $0x42000  }
0xb3: {  	[dreg:$0x6] =	wrdreg $0x9  }
0xb4: {  	_ =	task.clear_ibuf [dreg:s8], $0x7FFFF;
	_ =	strace $0x90000046  }
0xb5: {  	s29 =	simm.s32 $0x9;
	_ =	strace $0x80000048  }
0xb6: {  	_ =	swait.ge [sflag:s29], $0x1  }
0xb7: {  	[sflag:s29] =	ssyncadd.s32 $0xFFFFFFFF  }
0xb8: {  	_ =	strace $0x90000048  }
0xb9: {  	_ =	sfence  }
0xba: {  	s30 =	sld [smem:$0x0];
	_ =	sdelay $0x2  }
0xbb: {  	s31 =	sshll.u32 s1, $0xD;
	s1 =	sshrl.u32 s1, $0x2  }
0xbc: {  	s3 =	sand.u32 $0x4000, s31;
	s1 =	sadd.s32 s1, s30  }
0xbd: {  	s0 =	sor.u32 s3, s0;
	s1 =	sshll.u32 s1, $0x11  }
0xbe: {  	s0 =	sor.u32 s1, s0  }
0xbf: {  	s0 =	sadd.s32 $0x8F2B, s0  }
0xc0: {  	[sflag:s0] =	ssyncadd.remote.s32 $0x1  }
0xc1: {  	_ =	sfence.sel $0xFFFF  }
0xc2: {  	[dreg:$0x0] =	wrdreg $0xFFFFFFFF;
	(pc) =	sbr.abs _section_cstart, $3  }
0xc3: {  	[dreg:$0x1] =	wrdreg $0xFFFFFFFF  }
0xc4: {  	_ =	task.clear_ibuf [dreg:s8], $0x2FFFF;
	_ =	strace $0x9FFFFFFF  }
0xc5: {  	(tm) =	ssettm $0x7FFFFFFF  }
tec
execute0_lowered:
.L_overlay_start_1:
0x0: {  	(tag) =	ssettag $0x1  }
0x1: {  	s19 =	rddreg [dreg:$0x0]  }
0x2: {  	s21 =	rddreg [dreg:$0x1]  }
0x3: {  	s4 =	rddreg [dreg:$0x2]  }
0x4: {  	s2 =	rddreg [dreg:$0x3]  }
0x5: {  	s0 =	rddreg [dreg:$0x4]  }
0x6: {  	s3 =	simm.s32 $0x0;
	s1 =	stileid.u32;
	s6 =	srdreg.scid  }
0x7: {  	[smem:$0x7FF] =	sst s3;
	s5 =	sshll.u32 s1, $0xC;
	s25 =	sand.u32 $0x1, s6  }
0x8: {  	s26 =	sshll.u32 s1, $0xF;
	s29 =	sshll.u32 s1, $0x6;
	s7 =	sshll.u32 s1, $0xA  }
0x9: {  	s6 =	simm.s32 $0x2;
	_ =	strace $0x80000047;
	s24 =	sadd.s32 s5, s4  }
0xa: {  	s28 =	sadd.s32 s26, s2;
	s5 =	sor.u32 $0x1C02, s29;
	s8 =	sshll.u32 s25, $0x9  }
0xb: {  	s4 =	sadd.s32 $0x800, s24;
	s16 =	sor.u32 s8, s7;
	s7 =	sshrl.u32 s28, $0x3  }
0xc: {  	[spmem:s7], [sflag:s5] =	dma.local [hbm:s4], $0x1000  }
0xd: {  	_ =	swait.ge [sflag:s6], $0x1000  }
0xe: {  	s11 =	simm.s32 $0x200;
	s15 =	simm.s32 $0x1200;
	[sflag:s6] =	ssyncset.done $0x0  }
0xf: {  	s8 =	sshrl.u32 s16, $0x3;
	s9 =	sshll.u32 s16, $0x2;
	[sflag:s6] =	ssyncadd.s32 $0xFFFFF000  }
0x10: {  	s12 =	sor.u32 $0x80, s16;
	s8 =	sadd.s32 s19, s8;
	[bflag:$0x0] =	sbarrier.arrive $0xFFFF  }
0x11: {  	[tilespmem:s3], [sflag:$0x1] =	stream.linear.gather [hbm4b:s8+s3], $0x80, $0x38;
	[tilespmem:$0xC200] =	vst v63  }
0x12: {  	s17 =	sor.u32 $0x100, s16;
	s9 =	sadd.s32 s21, s9;
	s10 =	sshrl.u32 s12, $0x3  }
0x13: {  	[tilespmem:s11], [sflag:$0x1] =	stream.linear.gather [hbm4b:s9+s3], $0x1000, $0x38;
	[tilespmem:$0xC200] =	vst v63  }
0x14: {  	s13 =	sshll.u32 s12, $0x2;
	s12 =	simm.s32 $0x80;
	s10 =	sadd.s32 s19, s10  }
0x15: {  	[tilespmem:s12], [sflag:$0x1] =	stream.linear.gather [hbm4b:s10+s3], $0x80, $0x38;
	[tilespmem:$0xC200] =	vst v63  }
0x16: {  	s20 =	sor.u32 $0x180, s16;
	s14 =	sshrl.u32 s17, $0x3;
	s13 =	sadd.s32 s21, s13  }
0x17: {  	[tilespmem:s15], [sflag:$0x1] =	stream.linear.gather [hbm4b:s13+s3], $0x1000, $0x38;
	[tilespmem:$0xC200] =	vst v63  }
0x18: {  	s16 =	simm.s32 $0x100;
	s17 =	sshll.u32 s17, $0x2;
	s14 =	sadd.s32 s19, s14  }
0x19: {  	[tilespmem:s16], [sflag:$0x1] =	stream.linear.gather [hbm4b:s14+s3], $0x80, $0x38;
	[tilespmem:$0xC200] =	vst v63  }
0x1a: {  	s18 =	simm.s32 $0x2200;
	s22 =	sshrl.u32 s20, $0x3;
	s17 =	sadd.s32 s21, s17  }
0x1b: {  	[tilespmem:s18], [sflag:$0x1] =	stream.linear.gather [hbm4b:s17+s3], $0x1000, $0x38;
	[tilespmem:$0xC200] =	vst v63  }
0x1c: {  	s30 =	sshll.u32 s20, $0x2;
	s20 =	simm.s32 $0x180;
	s19 =	sadd.s32 s19, s22  }
0x1d: {  	[tilespmem:s20], [sflag:$0x1] =	stream.linear.gather [hbm4b:s19+s3], $0x80, $0x38;
	[tilespmem:$0xC200] =	vst v63  }
0x1e: {  	s23 =	simm.s32 $0x1;
	s21 =	sadd.s32 s21, s30;
	s22 =	simm.s32 $0x3200  }
0x1f: {  	[tilespmem:s22], [sflag:$0x1] =	stream.linear.gather [hbm4b:s21+s3], $0x1000, $0x38;
	[tilespmem:$0xC200] =	vst v63  }
0x20: {  	_ =	swait.ge [sflag:s23], $0x80  }
0x21: {  	[sflag:s23] =	ssyncset.done $0x0  }
0x22: {  	[sflag:s23] =	ssyncadd.s32 $0xFFFFFF80  }
0x23: {  	_ =	swait.ge [sflag:s23], $0x1000  }
0x24: {  	[sflag:s23] =	ssyncset.done $0x0  }
0x25: {  	[sflag:s23] =	ssyncadd.s32 $0xFFFFF000  }
0x26: {  	_ =	swait.ge [sflag:s23], $0x80  }
0x27: {  	[sflag:s23] =	ssyncset.done $0x0  }
0x28: {  	[sflag:s23] =	ssyncadd.s32 $0xFFFFFF80  }
0x29: {  	_ =	swait.ge [sflag:s23], $0x1000  }
0x2a: {  	[sflag:s23] =	ssyncset.done $0x0  }
0x2b: {  	[sflag:s23] =	ssyncadd.s32 $0xFFFFF000  }
0x2c: {  	_ =	swait.ge [sflag:s23], $0x80  }
0x2d: {  	[sflag:s23] =	ssyncset.done $0x0  }
0x2e: {  	[sflag:s23] =	ssyncadd.s32 $0xFFFFFF80  }
0x2f: {  	_ =	swait.ge [sflag:s23], $0x1000  }
0x30: {  	[sflag:s23] =	ssyncset.done $0x0  }
0x31: {  	[sflag:s23] =	ssyncadd.s32 $0xFFFFF000  }
0x32: {  	_ =	swait.ge [sflag:s23], $0x80  }
0x33: {  	[sflag:s23] =	ssyncset.done $0x0  }
0x34: {  	[sflag:s23] =	ssyncadd.s32 $0xFFFFFF80  }
0x35: {  	_ =	swait.ge [sflag:s23], $0x1000  }
0x36: {  	[sflag:s23] =	ssyncset.done $0x0  }
0x37: {  	[sflag:s23] =	ssyncadd.s32 $0xFFFFF000  }
0x38: {  	[spmem:s2] =	stream.indirect.scatter.add.f32 [tilespmem:s11], [sflag:$0x2], $0x20, s3, s12, $0xb8;
	[tilespmem:$0xC200] =	vst v63  }
0x39: {  	_ =	swait.ge [sflag:s6], $0x1000  }
0x3a: {  	[sflag:s6] =	ssyncset.done $0x0  }
0x3b: {  	[sflag:s6] =	ssyncadd.s32 $0xFFFFF000  }
0x3c: {  	[spmem:s2] =	stream.indirect.scatter.add.f32 [tilespmem:s15], [sflag:$0x2], $0x20, s12, s12, $0xb8;
	[tilespmem:$0xC200] =	vst v63  }
0x3d: {  	_ =	swait.ge [sflag:s6], $0x1000  }
0x3e: {  	[sflag:s6] =	ssyncset.done $0x0  }
0x3f: {  	[sflag:s6] =	ssyncadd.s32 $0xFFFFF000  }
0x40: {  	[spmem:s2] =	stream.indirect.scatter.add.f32 [tilespmem:s18], [sflag:$0x2], $0x20, s16, s12, $0xb8;
	[tilespmem:$0xC200] =	vst v63  }
0x41: {  	s26 =	ssub.s32 $0x2, s25;
	_ =	swait.ge [sflag:s6], $0x1000  }
0x42: {  	s28 =	sshrl.u32 s26, $0x1;
	[sflag:s6] =	ssyncset.done $0x0  }
0x43: {  	s26 =	ssub.s32 s26, s28;
	[sflag:s6] =	ssyncadd.s32 $0xFFFFF000  }
0x44: {  	[spmem:s2] =	stream.indirect.scatter.add.f32 [tilespmem:s22], [sflag:$0x2], $0x20, s20, s12, $0xb8;
	[tilespmem:$0xC200] =	vst v63  }
0x45: {  	s31 =	smax.u32 s26, $0x1;
	_ =	swait.ge [sflag:s6], $0x1000  }
0x46: {  	s25 =	sshll.u32 s25, $0x10;
	p0 =	sne.s32 s31, $0x1;
	[sflag:s6] =	ssyncset.done $0x0  }
.Ltmp0:
0x47: {  	s24 =	sadd.s32 s25, s24;
	[sflag:s6] =	ssyncadd.s32 $0xFFFFF000;
	(pc) =	sbr.rel @!p0 .LBB2_2-.Ltmp0, $4  }
0x48: {  	s24 =	sadd.s32 $0x10800, s24;
	[bflag:$0x0] =	sbarrier.arrive $0xFFFF  }
0x49: {  	[hbm:s24], [sflag:s5] =	dma.local [spmem:s7], $0x1000  }
0x4a: {  	_ =	swait.ge [sflag:s6], $0x1000  }
0x4b: {  	s25 =	sadd.s32 $0xFFFFFFFF, s31;
	[sflag:s6] =	ssyncset.done $0x0  }
.LBB2_1:
0x4c: {  	p0 =	sne.s32 s25, $0x1;
	s25 =	sadd.s32 $0xFFFFFFFF, s25;
	[sflag:s6] =	ssyncadd.s32 $0xFFFFF000  }
0x4d: {  	[spmem:s7], [sflag:s5] =	dma.local [hbm:s4], $0x1000  }
0x4e: {  	_ =	swait.ge [sflag:s6], $0x1000  }
0x4f: {  	[sflag:s6] =	ssyncset.done $0x0  }
0x50: {  	[sflag:s6] =	ssyncadd.s32 $0xFFFFF000  }
0x51: {  	[bflag:$0x0] =	sbarrier.arrive $0xFFFF  }
0x52: {  	[tilespmem:s3], [sflag:$0x1] =	stream.linear.gather [hbm4b:s8+s3], $0x80, $0x38;
	[tilespmem:$0xC200] =	vst v63  }
0x53: {  	_ = 	snop  }
0x54: {  	[tilespmem:s11], [sflag:$0x1] =	stream.linear.gather [hbm4b:s9+s3], $0x1000, $0x38;
	[tilespmem:$0xC200] =	vst v63  }
0x55: {  	_ = 	snop  }
0x56: {  	[tilespmem:s12], [sflag:$0x1] =	stream.linear.gather [hbm4b:s10+s3], $0x80, $0x38;
	[tilespmem:$0xC200] =	vst v63  }
0x57: {  	_ = 	snop  }
0x58: {  	[tilespmem:s15], [sflag:$0x1] =	stream.linear.gather [hbm4b:s13+s3], $0x1000, $0x38;
	[tilespmem:$0xC200] =	vst v63  }
0x59: {  	_ = 	snop  }
0x5a: {  	[tilespmem:s16], [sflag:$0x1] =	stream.linear.gather [hbm4b:s14+s3], $0x80, $0x38;
	[tilespmem:$0xC200] =	vst v63  }
0x5b: {  	_ = 	snop  }
0x5c: {  	[tilespmem:s18], [sflag:$0x1] =	stream.linear.gather [hbm4b:s17+s3], $0x1000, $0x38;
	[tilespmem:$0xC200] =	vst v63  }
0x5d: {  	_ = 	snop  }
0x5e: {  	[tilespmem:s20], [sflag:$0x1] =	stream.linear.gather [hbm4b:s19+s3], $0x80, $0x38;
	[tilespmem:$0xC200] =	vst v63  }
0x5f: {  	_ = 	snop  }
0x60: {  	[tilespmem:s22], [sflag:$0x1] =	stream.linear.gather [hbm4b:s21+s3], $0x1000, $0x38;
	[tilespmem:$0xC200] =	vst v63  }
0x61: {  	_ =	swait.ge [sflag:s23], $0x80  }
0x62: {  	[sflag:s23] =	ssyncset.done $0x0  }
0x63: {  	[sflag:s23] =	ssyncadd.s32 $0xFFFFFF80  }
0x64: {  	_ =	swait.ge [sflag:s23], $0x1000  }
0x65: {  	[sflag:s23] =	ssyncset.done $0x0  }
0x66: {  	[sflag:s23] =	ssyncadd.s32 $0xFFFFF000  }
0x67: {  	_ =	swait.ge [sflag:s23], $0x80  }
0x68: {  	[sflag:s23] =	ssyncset.done $0x0  }
0x69: {  	[sflag:s23] =	ssyncadd.s32 $0xFFFFFF80  }
0x6a: {  	_ =	swait.ge [sflag:s23], $0x1000  }
0x6b: {  	[sflag:s23] =	ssyncset.done $0x0  }
0x6c: {  	[sflag:s23] =	ssyncadd.s32 $0xFFFFF000  }
0x6d: {  	_ =	swait.ge [sflag:s23], $0x80  }
0x6e: {  	[sflag:s23] =	ssyncset.done $0x0  }
0x6f: {  	[sflag:s23] =	ssyncadd.s32 $0xFFFFFF80  }
0x70: {  	_ =	swait.ge [sflag:s23], $0x1000  }
0x71: {  	[sflag:s23] =	ssyncset.done $0x0  }
0x72: {  	[sflag:s23] =	ssyncadd.s32 $0xFFFFF000  }
0x73: {  	_ =	swait.ge [sflag:s23], $0x80  }
0x74: {  	[sflag:s23] =	ssyncset.done $0x0  }
0x75: {  	[sflag:s23] =	ssyncadd.s32 $0xFFFFFF80  }
0x76: {  	_ =	swait.ge [sflag:s23], $0x1000  }
0x77: {  	[sflag:s23] =	ssyncset.done $0x0  }
0x78: {  	[sflag:s23] =	ssyncadd.s32 $0xFFFFF000  }
0x79: {  	[spmem:s2] =	stream.indirect.scatter.add.f32 [tilespmem:s11], [sflag:$0x2], $0x20, s3, s12, $0xb8;
	[tilespmem:$0xC200] =	vst v63  }
0x7a: {  	_ =	swait.ge [sflag:s6], $0x1000  }
0x7b: {  	[sflag:s6] =	ssyncset.done $0x0  }
0x7c: {  	[sflag:s6] =	ssyncadd.s32 $0xFFFFF000  }
0x7d: {  	[spmem:s2] =	stream.indirect.scatter.add.f32 [tilespmem:s15], [sflag:$0x2], $0x20, s12, s12, $0xb8;
	[tilespmem:$0xC200] =	vst v63  }
0x7e: {  	_ =	swait.ge [sflag:s6], $0x1000  }
0x7f: {  	[sflag:s6] =	ssyncset.done $0x0  }
0x80: {  	[sflag:s6] =	ssyncadd.s32 $0xFFFFF000  }
0x81: {  	[spmem:s2] =	stream.indirect.scatter.add.f32 [tilespmem:s18], [sflag:$0x2], $0x20, s16, s12, $0xb8;
	[tilespmem:$0xC200] =	vst v63  }
0x82: {  	_ =	swait.ge [sflag:s6], $0x1000  }
0x83: {  	[sflag:s6] =	ssyncset.done $0x0  }
0x84: {  	[sflag:s6] =	ssyncadd.s32 $0xFFFFF000  }
0x85: {  	[spmem:s2] =	stream.indirect.scatter.add.f32 [tilespmem:s22], [sflag:$0x2], $0x20, s20, s12, $0xb8;
	[tilespmem:$0xC200] =	vst v63  }
0x86: {  	_ =	swait.ge [sflag:s6], $0x1000  }
0x87: {  	[sflag:s6] =	ssyncset.done $0x0  }
.Ltmp1:
0x88: {  	[sflag:s6] =	ssyncadd.s32 $0xFFFFF000;
	(pc) =	sbr.rel @p0 .LBB2_1-.Ltmp1, $4  }
0x89: {  	[bflag:$0x0] =	sbarrier.arrive $0xFFFF  }
0x8a: {  	[hbm:s24], [sflag:s5] =	dma.local [spmem:s7], $0x1000  }
0x8b: {  	_ =	swait.ge [sflag:s6], $0x1000  }
0x8c: {  	[sflag:s6] =	ssyncset.done $0x0  }
.LBB2_2:
0x8d: {  	[sflag:s6] =	ssyncadd.s32 $0xFFFFF000  }
0x8e: {  	_ =	sfence.sel $0x180000  }
0x8f: {  	[bflag:$0x0] =	sbarrier.arrive $0xFFFF  }
0x90: {  	p0 =	sne.s32 s1, $0x0;
	_ =	strace $0x90000047  }
0x91: {  	s0 =	sadd.s32 @!p0 $0x100000, s0;
	[bflag:$0x2] =	sbarrier.arrive $0xFFFF  }
0x92: {  	[sflag:s0] =	ssyncadd.tile.s32 @!p0 $0x1;
	_ =	shalt  }
.Lfunc_end2:
_tile_overlayer_lowered:
.L_overlay_start_2:
0x93: {  	(tag) =	ssettag $0x2  }
0x94: {  	s0 =	rddreg [dreg:$0x0];
	s2 =	stileid.u32  }
0x95: {  	s1 =	rddreg [dreg:$0x1];
	p0 =	sne.s32 s2, $0x0  }
0x96: {  	s3 =	rddreg [dreg:$0x2];
	[bflag:$0x3] =	sbarrier.arrive $0xFFFF;
	s2 =	simm.s32 @!p0 $0x1C02  }
0x97: {  	[timem:s3], [sflag:s2] =	dma.local @!p0 [hbm:s0], s1  }
0x98: {  	s0 =	simm.s32 @!p0 $0x2  }
0x99: {  	_ =	swait.ge @!p0 [sflag:s0], s1  }
0x9a: {  	s1 =	ssub.s32 @!p0 $0x0, s1;
	[sflag:s0] =	ssyncset.done @!p0 $0x0  }
0x9b: {  	[sflag:s0] =	ssyncadd.s32 @!p0 s1  }
0x9c: {  	[bflag:$0x3] =	sbarrier.arrive $0xFFFF  }
0x9d: {  	_ =	shalt  }

</sc_bundles>
